<compile_context>
chip_gen: v7x
topology: tpu7x:2x2x1
jax: 0.10.2.dev20260603
libtpu: 0.0.44.dev20260713+nightly
codegen_flags: <defaults>
</compile_context>

<pallas_src>
import jax
import jax.numpy as jnp
from jax.experimental import pallas as pl
from jax.experimental.pallas import tpu as pltpu

_ROWS = 5000


def _fused_kernel(x_ref, lo_ref, hi_ref, w1_ref, b1_ref, w2_ref, b2_ref,
                  out_ref, m_ref, s_ref):
    i = pl.program_id(0)
    nb = pl.num_programs(0)
    nseg = out_ref.shape[1]
    rows = x_ref.shape[0]

    @pl.when(i == 0)
    def _init():
        m_ref[...] = jnp.full(m_ref.shape, -1e30, jnp.float32)
        s_ref[...] = jnp.zeros(s_ref.shape, jnp.float32)
        out_ref[...] = jnp.zeros(out_ref.shape, jnp.float32)

    x = x_ref[...].astype(jnp.bfloat16)
    h = jnp.tanh(jnp.dot(x, w1_ref[...],
                         preferred_element_type=jnp.float32) + b1_ref[...])
    logits = jnp.dot(h.astype(jnp.bfloat16), w2_ref[...],
                     preferred_element_type=jnp.float32) + b2_ref[...]

    gidx = i * rows + jax.lax.broadcasted_iota(jnp.int32, (rows, nseg), 0)
    inseg = (gidx >= lo_ref[...]) & (gidx < hi_ref[...])
    masked = jnp.where(inseg, logits, jnp.float32(-3e38))

    bmax = jnp.max(masked, axis=0, keepdims=True)
    m_old = m_ref[...]
    m_new = jnp.maximum(m_old, bmax)
    rescale = jnp.exp(m_old - m_new)
    p = jnp.exp(masked - m_new)

    m_ref[...] = m_new
    s_ref[...] = s_ref[...] * rescale + jnp.sum(p, axis=0, keepdims=True)
    contrib = jax.lax.dot_general(
        x, p.astype(jnp.bfloat16),
        dimension_numbers=(((0,), (0,)), ((), ())),
        preferred_element_type=jnp.float32)
    out_ref[...] = out_ref[...] * rescale + contrib

    @pl.when(i == nb - 1)
    def _final():
        out_ref[...] = out_ref[...] / (s_ref[...] + 1e-8)


def kernel(x, batch, W1, b1, W2, b2):
    n, d = x.shape
    hidden = W1.shape[1]
    nseg = 64
    rows = _ROWS
    assert n % rows == 0
    grid = n // rows

    counts = jnp.zeros((nseg,), jnp.int32).at[batch].add(1)
    bounds = jnp.concatenate(
        [jnp.zeros((1,), jnp.int32), jnp.cumsum(counts, dtype=jnp.int32)])
    lo = bounds[:nseg].reshape(1, nseg)
    hi = bounds[1:].reshape(1, nseg)

    out_t = pl.pallas_call(
        _fused_kernel,
        grid=(grid,),
        in_specs=[
            pl.BlockSpec((rows, d), lambda i: (i, 0)),
            pl.BlockSpec((1, nseg), lambda i: (0, 0)),
            pl.BlockSpec((1, nseg), lambda i: (0, 0)),
            pl.BlockSpec((d, hidden), lambda i: (0, 0)),
            pl.BlockSpec((1, hidden), lambda i: (0, 0)),
            pl.BlockSpec((hidden, 1), lambda i: (0, 0)),
            pl.BlockSpec((1, 1), lambda i: (0, 0)),
        ],
        out_specs=pl.BlockSpec((d, nseg), lambda i: (0, 0)),
        out_shape=jax.ShapeDtypeStruct((d, nseg), jnp.float32),
        scratch_shapes=[
            pltpu.VMEM((1, nseg), jnp.float32),
            pltpu.VMEM((1, nseg), jnp.float32),
        ],
    )(x, lo, hi, W1.astype(jnp.bfloat16),
      b1.reshape(1, hidden), W2.astype(jnp.bfloat16), b2.reshape(1, 1))
    return out_t.T

# --- scband reference (transcript-rebuilt; emitter-appended) ---
"""Pipeline reference for scband-attention-pooling-9612136808953 (READ-ONLY COPY).

The authoritative reference and input builder live on the scoring server;
editing this copy changes nothing except your own understanding.
"""

import jax, jax.numpy as jnp
import numpy as np

N = 100000
IN_DIM = 512
HIDDEN = 256
B = 64


def setup_inputs(seed: int = 0) -> dict:
    key = jax.random.key(seed)
    k1, k2, k3, k4 = jax.random.split(key, 4)
    x = jax.random.normal(k1, (N, IN_DIM), dtype=jnp.float32)
    batch = jnp.sort(jax.random.randint(k2, (N,), 0, B, dtype=jnp.int32))
    W1 = jax.random.normal(k3, (IN_DIM, HIDDEN), dtype=jnp.float32) * (1.0 / np.sqrt(IN_DIM))
    b1 = jnp.zeros((HIDDEN,), dtype=jnp.float32)
    W2 = jax.random.normal(k4, (HIDDEN, 1), dtype=jnp.float32) * (1.0 / np.sqrt(HIDDEN))
    b2 = jnp.zeros((1,), dtype=jnp.float32)
    return {"x": x, "batch": batch, "W1": W1, "b1": b1, "W2": W2, "b2": b2}


def reference(x, batch, W1, b1, W2, b2):
    # attention MLP: Linear -> Tanh -> Linear -> squeeze
    num_seg = B
    h = jnp.tanh(x @ W1 + b1)
    attn_logits = (h @ W2 + b2).squeeze(-1).astype(jnp.float32)
    # segment amax (torch scatter_reduce amax, include_self=False; empty segments -> 0)
    attn_max = jax.ops.segment_max(attn_logits, batch, num_segments=num_seg)
    attn_max = jnp.where(jnp.isfinite(attn_max), attn_max, 0.0)
    shifted = attn_logits - attn_max[batch]
    attn_exp = jnp.exp(shifted)
    attn_sum = jax.ops.segment_sum(attn_exp, batch, num_segments=num_seg)
    attn_w = attn_exp / (attn_sum[batch] + 1e-08)
    attn_w = attn_w.astype(x.dtype)
    # dropout is identity at inference
    weighted_x = x * attn_w[:, None]
    out = jax.ops.segment_sum(weighted_x, batch, num_segments=num_seg)
    return out

if __name__ == "__main__":
    import jax
    _d = setup_inputs()
    print(jax.jit(kernel)(*tuple(_d.values())))

</pallas_src>

<mosaic_0001>
module attributes {stable_mosaic.version = 14 : i64} {
  func.func @_fused_kernel(%arg0: i32, %arg1: memref<5000x512xf32, #tpu.memory_space<vmem>>, %arg2: memref<1x64xi32, #tpu.memory_space<vmem>>, %arg3: memref<1x64xi32, #tpu.memory_space<vmem>>, %arg4: memref<512x256xbf16, #tpu.memory_space<vmem>>, %arg5: memref<1x256xf32, #tpu.memory_space<vmem>>, %arg6: memref<256x1xbf16, #tpu.memory_space<vmem>>, %arg7: memref<1x1xf32, #tpu.memory_space<vmem>>, %arg8: memref<512x64xf32, #tpu.memory_space<vmem>>, %arg9: memref<1x64xf32, #tpu.memory_space<vmem>>, %arg10: memref<1x64xf32, #tpu.memory_space<vmem>>) attributes {dimension_semantics = [#tpu.dimension_semantics<arbitrary>], iteration_bounds = array<i64: 20>, scalar_prefetch = 0 : i64, scratch_operands = 2 : i64, tpu.core_type = #tpu.core_type<tc>, window_params = [{transform_indices = @transform_0, window_bounds = array<i64: 5000, 512>}, {pipeline_mode = #tpu.pipeline_mode<synchronous>, transform_indices = @transform_1, window_bounds = array<i64: 1, 64>}, {pipeline_mode = #tpu.pipeline_mode<synchronous>, transform_indices = @transform_2, window_bounds = array<i64: 1, 64>}, {pipeline_mode = #tpu.pipeline_mode<synchronous>, transform_indices = @transform_3, window_bounds = array<i64: 512, 256>}, {pipeline_mode = #tpu.pipeline_mode<synchronous>, transform_indices = @transform_4, window_bounds = array<i64: 1, 256>}, {pipeline_mode = #tpu.pipeline_mode<synchronous>, transform_indices = @transform_5, window_bounds = array<i64: 256, 1>}, {pipeline_mode = #tpu.pipeline_mode<synchronous>, transform_indices = @transform_6, window_bounds = array<i64: 1, 1>}, {pipeline_mode = #tpu.pipeline_mode<synchronous>, transform_indices = @transform_7, window_bounds = array<i64: 512, 64>}]} {
    %eq3A = arith.constant 0 : i32
    %eq3A_0 = arith.cmpi eq, %arg0, %eq3A : i32
    %convert_element_type3A = arith.extui %eq3A_0 : i1 to i32
    %cond3A = arith.constant 0 : i32
    %cond3A_1 = arith.cmpi ne, %convert_element_type3A, %cond3A : i32
    scf.if %cond3A_1 {
      %broadcast_in_dim3A_74 = arith.constant -1.000000e+30 : f32
      %broadcast_in_dim3A_75 = vector.broadcast %broadcast_in_dim3A_74 : f32 to vector<1x64xf32>
      %swap3A_76 = arith.constant 0 : index
      %swap3A_77 = arith.constant 0 : index
      %swap3A_78 = vector.load %arg9[%swap3A_76, %swap3A_77] : memref<1x64xf32, #tpu.memory_space<vmem>>, vector<1x64xf32>
      tpu.vector_store %arg9[%swap3A_76, %swap3A_77], %broadcast_in_dim3A_75 {strides = array<i32>} : memref<1x64xf32, #tpu.memory_space<vmem>>, vector<1x64xf32>,
      %broadcast_in_dim3A_79 = arith.constant 0.000000e+00 : f32
      %broadcast_in_dim3A_80 = vector.broadcast %broadcast_in_dim3A_79 : f32 to vector<1x64xf32>
      %swap3A_81 = arith.constant 0 : index
      %swap3A_82 = arith.constant 0 : index
      %swap3A_83 = vector.load %arg10[%swap3A_81, %swap3A_82] : memref<1x64xf32, #tpu.memory_space<vmem>>, vector<1x64xf32>
      tpu.vector_store %arg10[%swap3A_81, %swap3A_82], %broadcast_in_dim3A_80 {strides = array<i32>} : memref<1x64xf32, #tpu.memory_space<vmem>>, vector<1x64xf32>,
      %broadcast_in_dim3A_84 = arith.constant 0.000000e+00 : f32
      %broadcast_in_dim3A_85 = vector.broadcast %broadcast_in_dim3A_84 : f32 to vector<512x64xf32>
      %swap3A_86 = arith.constant 0 : index
      %swap3A_87 = arith.constant 0 : index
      %swap3A_88 = vector.load %arg8[%swap3A_86, %swap3A_87] : memref<512x64xf32, #tpu.memory_space<vmem>>, vector<512x64xf32>
      tpu.vector_store %arg8[%swap3A_86, %swap3A_87], %broadcast_in_dim3A_85 {strides = array<i32>} : memref<512x64xf32, #tpu.memory_space<vmem>>, vector<512x64xf32>,
    } else {
    }
    %get3A = arith.constant 0 : index
    %get3A_2 = arith.constant 0 : index
    %get3A_3 = vector.load %arg1[%get3A, %get3A_2] : memref<5000x512xf32, #tpu.memory_space<vmem>>, vector<5000x512xf32>
    %convert_element_type3A_4 = arith.truncf %get3A_3 : vector<5000x512xf32> to vector<5000x512xbf16>
    %get3A_5 = arith.constant 0 : index
    %get3A_6 = arith.constant 0 : index
    %get3A_7 = vector.load %arg4[%get3A_5, %get3A_6] : memref<512x256xbf16, #tpu.memory_space<vmem>>, vector<512x256xbf16>
    %dot_general3A = arith.constant dense<0.000000e+00> : vector<5000x256xf32>
    %dot_general3A_8 = tpu.matmul %convert_element_type3A_4, %get3A_7, %dot_general3A {dimension_numbers = #tpu.dot_dimension_numbers<[1], [0], [0], [1], [0, 0, 1, 1], [], []>, transpose_lhs_hint = false} : vector<5000x512xbf16>, vector<512x256xbf16>, vector<5000x256xf32> -> vector<5000x256xf32>
    %get3A_9 = arith.constant 0 : index
    %get3A_10 = arith.constant 0 : index
    %get3A_11 = vector.load %arg5[%get3A_9, %get3A_10] : memref<1x256xf32, #tpu.memory_space<vmem>>, vector<1x256xf32>
    %add3A = vector.broadcast %get3A_11 : vector<1x256xf32> to vector<5000x256xf32>
    %add3A_12 = arith.addf %dot_general3A_8, %add3A : vector<5000x256xf32>
    %tanh3A = math.tanh %add3A_12 : vector<5000x256xf32>
    %convert_element_type3A_13 = arith.truncf %tanh3A : vector<5000x256xf32> to vector<5000x256xbf16>
    %get3A_14 = arith.constant 0 : index
    %get3A_15 = arith.constant 0 : index
    %get3A_16 = vector.load %arg6[%get3A_14, %get3A_15] : memref<256x1xbf16, #tpu.memory_space<vmem>>, vector<256x1xbf16>
    %dot_general3A_17 = arith.constant dense<0.000000e+00> : vector<5000x1xf32>
    %dot_general3A_18 = tpu.matmul %convert_element_type3A_13, %get3A_16, %dot_general3A_17 {dimension_numbers = #tpu.dot_dimension_numbers<[1], [0], [0], [1], [0, 0, 1, 1], [], []>, transpose_lhs_hint = false} : vector<5000x256xbf16>, vector<256x1xbf16>, vector<5000x1xf32> -> vector<5000x1xf32>
    %get3A_19 = arith.constant 0 : index
    %get3A_20 = arith.constant 0 : index
    %get3A_21 = vector.load %arg7[%get3A_19, %get3A_20] : memref<1x1xf32, #tpu.memory_space<vmem>>, vector<1x1xf32>
    %add3A_22 = vector.broadcast %get3A_21 : vector<1x1xf32> to vector<5000x1xf32>
    %add3A_23 = arith.addf %dot_general3A_18, %add3A_22 : vector<5000x1xf32>
    %mul3A = arith.constant 5000 : i32
    %mul3A_24 = arith.muli %arg0, %mul3A : i32
    %iota3A = tpu.iota {dimensions = array<i32: 0>} : vector<5000x64xi32>
    %add3A_25 = vector.broadcast %mul3A_24 : i32 to vector<5000x64xi32>
    %add3A_26 = arith.addi %add3A_25, %iota3A : vector<5000x64xi32>
    %get3A_27 = arith.constant 0 : index
    %get3A_28 = arith.constant 0 : index
    %get3A_29 = vector.load %arg2[%get3A_27, %get3A_28] : memref<1x64xi32, #tpu.memory_space<vmem>>, vector<1x64xi32>
    %ge3A = vector.broadcast %get3A_29 : vector<1x64xi32> to vector<5000x64xi32>
    %ge3A_30 = arith.cmpi sge, %add3A_26, %ge3A : vector<5000x64xi32>
    %get3A_31 = arith.constant 0 : index
    %get3A_32 = arith.constant 0 : index
    %get3A_33 = vector.load %arg3[%get3A_31, %get3A_32] : memref<1x64xi32, #tpu.memory_space<vmem>>, vector<1x64xi32>
    %lt3A = vector.broadcast %get3A_33 : vector<1x64xi32> to vector<5000x64xi32>
    %lt3A_34 = arith.cmpi slt, %add3A_26, %lt3A : vector<5000x64xi32>
    %and3A = arith.andi %ge3A_30, %lt3A_34 : vector<5000x64xi1>
    %jit3A = arith.constant -3.000000e+38 : f32
    %broadcast_in_dim3A = vector.shape_cast %add3A_23 : vector<5000x1xf32> to vector<5000x1xf32>
    %broadcast_in_dim3A_35 = vector.broadcast %broadcast_in_dim3A : vector<5000x1xf32> to vector<5000x64xf32>
    %broadcast_in_dim3A_36 = vector.broadcast %jit3A : f32 to vector<5000x64xf32>
    %select_n3A = arith.select %and3A, %broadcast_in_dim3A_35, %broadcast_in_dim3A_36 : vector<5000x64xi1>, vector<5000x64xf32>
    %reduce_max3A = arith.constant dense<0xFF800000> : vector<64xf32>
    %reduce_max3A_37 = vector.multi_reduction <maximumf>, %select_n3A, %reduce_max3A [0] : vector<5000x64xf32> to vector<64xf32>
    %broadcast_in_dim3A_38 = vector.shape_cast %reduce_max3A_37 : vector<64xf32> to vector<1x64xf32>
    %get3A_39 = arith.constant 0 : index
    %get3A_40 = arith.constant 0 : index
    %get3A_41 = vector.load %arg9[%get3A_39, %get3A_40] : memref<1x64xf32, #tpu.memory_space<vmem>>, vector<1x64xf32>
    %max3A = arith.maximumf %get3A_41, %broadcast_in_dim3A_38 : vector<1x64xf32>
    %sub3A = arith.subf %get3A_41, %max3A : vector<1x64xf32>
    %exp3A = math.exp %sub3A : vector<1x64xf32>
    %sub3A_42 = vector.broadcast %max3A : vector<1x64xf32> to vector<5000x64xf32>
    %sub3A_43 = arith.subf %select_n3A, %sub3A_42 : vector<5000x64xf32>
    %exp3A_44 = math.exp %sub3A_43 : vector<5000x64xf32>
    %swap3A = arith.constant 0 : index
    %swap3A_45 = arith.constant 0 : index
    %swap3A_46 = vector.load %arg9[%swap3A, %swap3A_45] : memref<1x64xf32, #tpu.memory_space<vmem>>, vector<1x64xf32>
    tpu.vector_store %arg9[%swap3A, %swap3A_45], %max3A {strides = array<i32>} : memref<1x64xf32, #tpu.memory_space<vmem>>, vector<1x64xf32>,
    %get3A_47 = arith.constant 0 : index
    %get3A_48 = arith.constant 0 : index
    %get3A_49 = vector.load %arg10[%get3A_47, %get3A_48] : memref<1x64xf32, #tpu.memory_space<vmem>>, vector<1x64xf32>
    %mul3A_50 = arith.mulf %get3A_49, %exp3A : vector<1x64xf32>
    %reduce_sum3A = arith.constant dense<0.000000e+00> : vector<64xf32>
    %reduce_sum3A_51 = vector.multi_reduction <add>, %exp3A_44, %reduce_sum3A [0] : vector<5000x64xf32> to vector<64xf32>
    %broadcast_in_dim3A_52 = vector.shape_cast %reduce_sum3A_51 : vector<64xf32> to vector<1x64xf32>
    %add3A_53 = arith.addf %mul3A_50, %broadcast_in_dim3A_52 : vector<1x64xf32>
    %swap3A_54 = arith.constant 0 : index
    %swap3A_55 = arith.constant 0 : index
    %swap3A_56 = vector.load %arg10[%swap3A_54, %swap3A_55] : memref<1x64xf32, #tpu.memory_space<vmem>>, vector<1x64xf32>
    tpu.vector_store %arg10[%swap3A_54, %swap3A_55], %add3A_53 {strides = array<i32>} : memref<1x64xf32, #tpu.memory_space<vmem>>, vector<1x64xf32>,
    %convert_element_type3A_57 = arith.truncf %exp3A_44 : vector<5000x64xf32> to vector<5000x64xbf16>
    %dot_general3A_58 = arith.constant dense<0.000000e+00> : vector<512x64xf32>
    %dot_general3A_59 = tpu.matmul %convert_element_type3A_4, %convert_element_type3A_57, %dot_general3A_58 {dimension_numbers = #tpu.dot_dimension_numbers<[0], [0], [1], [1], [0, 1, 1, 1], [], []>, transpose_lhs_hint = false} : vector<5000x512xbf16>, vector<5000x64xbf16>, vector<512x64xf32> -> vector<512x64xf32>
    %get3A_60 = arith.constant 0 : index
    %get3A_61 = arith.constant 0 : index
    %get3A_62 = vector.load %arg8[%get3A_60, %get3A_61] : memref<512x64xf32, #tpu.memory_space<vmem>>, vector<512x64xf32>
    %mul3A_63 = vector.broadcast %exp3A : vector<1x64xf32> to vector<512x64xf32>
    %mul3A_64 = arith.mulf %get3A_62, %mul3A_63 : vector<512x64xf32>
    %add3A_65 = arith.addf %mul3A_64, %dot_general3A_59 : vector<512x64xf32>
    %swap3A_66 = arith.constant 0 : index
    %swap3A_67 = arith.constant 0 : index
    %swap3A_68 = vector.load %arg8[%swap3A_66, %swap3A_67] : memref<512x64xf32, #tpu.memory_space<vmem>>, vector<512x64xf32>
    tpu.vector_store %arg8[%swap3A_66, %swap3A_67], %add3A_65 {strides = array<i32>} : memref<512x64xf32, #tpu.memory_space<vmem>>, vector<512x64xf32>,
    %eq3A_69 = arith.constant 19 : i32
    %eq3A_70 = arith.cmpi eq, %arg0, %eq3A_69 : i32
    %convert_element_type3A_71 = arith.extui %eq3A_70 : i1 to i32
    %cond3A_72 = arith.constant 0 : i32
    %cond3A_73 = arith.cmpi ne, %convert_element_type3A_71, %cond3A_72 : i32
    scf.if %cond3A_73 {
      %get3A_74 = arith.constant 0 : index
      %get3A_75 = arith.constant 0 : index
      %get3A_76 = vector.load %arg8[%get3A_74, %get3A_75] : memref<512x64xf32, #tpu.memory_space<vmem>>, vector<512x64xf32>
      %get3A_77 = arith.constant 0 : index
      %get3A_78 = arith.constant 0 : index
      %get3A_79 = vector.load %arg10[%get3A_77, %get3A_78] : memref<1x64xf32, #tpu.memory_space<vmem>>, vector<1x64xf32>
      %add3A_80 = arith.constant 9.99999993E-9 : f32
      %add3A_81 = vector.broadcast %add3A_80 : f32 to vector<1x64xf32>
      %add3A_82 = arith.addf %get3A_79, %add3A_81 : vector<1x64xf32>
      %div3A = vector.broadcast %add3A_82 : vector<1x64xf32> to vector<512x64xf32>
      %div3A_83 = arith.divf %get3A_76, %div3A : vector<512x64xf32>
      %swap3A_84 = arith.constant 0 : index
      %swap3A_85 = arith.constant 0 : index
      %swap3A_86 = vector.load %arg8[%swap3A_84, %swap3A_85] : memref<512x64xf32, #tpu.memory_space<vmem>>, vector<512x64xf32>
      tpu.vector_store %arg8[%swap3A_84, %swap3A_85], %div3A_83 {strides = array<i32>} : memref<512x64xf32, #tpu.memory_space<vmem>>, vector<512x64xf32>,
    } else {
    }
    return
  }
  func.func @transform_0(%arg0: i32) -> (i32, i32) {
    %c0_i32 = arith.constant 0 : i32
    %c0_i32_0 = arith.constant 0 : i32
    return %arg0, %c0_i32 : i32, i32
  }
  func.func @transform_1(%arg0: i32) -> (i32, i32) {
    %c0_i32 = arith.constant 0 : i32
    %c0_i32_0 = arith.constant 0 : i32
    %c0_i32_1 = arith.constant 0 : i32
    return %c0_i32, %c0_i32_0 : i32, i32
  }
  func.func @transform_2(%arg0: i32) -> (i32, i32) {
    %c0_i32 = arith.constant 0 : i32
    %c0_i32_0 = arith.constant 0 : i32
    %c0_i32_1 = arith.constant 0 : i32
    return %c0_i32, %c0_i32_0 : i32, i32
  }
  func.func @transform_3(%arg0: i32) -> (i32, i32) {
    %c0_i32 = arith.constant 0 : i32
    %c0_i32_0 = arith.constant 0 : i32
    %c0_i32_1 = arith.constant 0 : i32
    return %c0_i32, %c0_i32_0 : i32, i32
  }
  func.func @transform_4(%arg0: i32) -> (i32, i32) {
    %c0_i32 = arith.constant 0 : i32
    %c0_i32_0 = arith.constant 0 : i32
    %c0_i32_1 = arith.constant 0 : i32
    return %c0_i32, %c0_i32_0 : i32, i32
  }
  func.func @transform_5(%arg0: i32) -> (i32, i32) {
    %c0_i32 = arith.constant 0 : i32
    %c0_i32_0 = arith.constant 0 : i32
    %c0_i32_1 = arith.constant 0 : i32
    return %c0_i32, %c0_i32_0 : i32, i32
  }
  func.func @transform_6(%arg0: i32) -> (i32, i32) {
    %c0_i32 = arith.constant 0 : i32
    %c0_i32_0 = arith.constant 0 : i32
    %c0_i32_1 = arith.constant 0 : i32
    return %c0_i32, %c0_i32_0 : i32, i32
  }
  func.func @transform_7(%arg0: i32) -> (i32, i32) {
    %c0_i32 = arith.constant 0 : i32
    %c0_i32_0 = arith.constant 0 : i32
    %c0_i32_1 = arith.constant 0 : i32
    return %c0_i32, %c0_i32_0 : i32, i32
  }
}

</mosaic_0001>

<sc_bundles>
// kernel: scatter_offload_async_start
scs
__scs_entry_jumppad:
0x0: {  	(pc) =	sbr.rel $0x88, $3  }
0x1: {  	(tag) =	ssettag $0x0;
	lr =	simm.s32 $0x1  }
0x2: {  	[smem:$0x3F9B] =	sst lr;
	_ =	strace $0xD0000000  }
0x3: {  	_ = 	snop  }
0x4: {  	_ = 	snop  }
0x5: {  	_ = 	snop  }
0x6: {  	_ = 	snop  }
0x7: {  	_ = 	snop  }
__scs_overlays_trampoline_lowered:
0x8: {  	[smem:$0x3FAA] =	sst s0  }
0x9: {  	[smem:$0x3FAB] =	sst s1  }
0xa: {  	[smem:$0x3FAC] =	sst s2  }
0xb: {  	[smem:$0x3FAD] =	sst s3  }
0xc: {  	[smem:$0x3FAE] =	sst s4  }
0xd: {  	[smem:$0x3FAF] =	sst s5  }
0xe: {  	[smem:$0x3FB0] =	sst s6  }
0xf: {  	[smem:$0x3FB1] =	sst s7  }
0x10: {  	[smem:$0x3FB2] =	sst s8  }
0x11: {  	[smem:$0x3FB3] =	sst s9;
	s0 =	simm.s32 @!p0 $0x0  }
0x12: {  	s1 =	sld [smem:$0x3F99];
	s0 =	simm.s32 @p0 $0x1  }
0x13: {  	[smem:$0x3FB4] =	sst s0;
	s0 =	simm.s32 @!p1 $0x0  }
0x14: {  	s2 =	sld [smem:$0x3F98];
	s0 =	simm.s32 @p1 $0x1  }
0x15: {  	[smem:$0x3FB5] =	sst s0;
	s0 =	simm.s32 @!p2 $0x0  }
0x16: {  	s3 =	sld [smem:$0x3FDB];
	s0 =	simm.s32 @p2 $0x1  }
0x17: {  	s4 =	simm.s32 $0x1BF5;
	[smem:$0x3FB7] =	sst s0  }
0x18: {  	s0 =	sld [smem:$0x3F9A];
	_ =	swait.ge [sflag:s4], $0x0  }
0x19: {  	s7 =	sld [smem:$0x3F9B]  }
0x1a: {  	s8 =	sadd.s32 $0xFFFFE003, lr  }
0x1b: {  	s9 =	sadd.s32 $0xFFFFFEF7, lr;
	s5 =	simm.s32 $0xFFFFFFFF;
	p2 =	slt.u32 s8, $0xFFFFF086  }
0x1c: {  	p1 =	slt.u32 s9, $0xF7A;
	s5 =	simm.s32 @!p2 $0x0  }
0x1d: {  	s5 =	simm.s32 @p1 $0x1;
	p0 =	seq.s32 s7, s2  }
0x1e: {  	s7 =	smul.u32 @!p0 $0xF7A, s2;
	p2 =	seq.s32 @!p0 s5, $0x0  }
0x1f: {  	s9 =	smul.u32 $0xF7A, s1;
	s8 =	simm.s32 @!p0 $0x1BF5;
	p2 =	por !p2, p0  }
0x20: {  	[sflag:s8] =	ssyncset.s32 @!p0 $0xFFFFF086;
	s6 =	sadd.s32 @!p0 s3, s7;
	s7 =	simm.s32 @!p0 $0x108  }
0x21: {  	s3 =	sadd.s32 s3, s9;
	s6 =	sadd.s32 @!p0 $0x88, s6;
	s7 =	simm.s32 @p2 $0x1082  }
0x22: {  	[simem:s7], [sflag:s8] =	dma.local @!p0 [hbm:s6], $0xF7A  }
0x23: {  	s9 =	sor.u32 $0xD0000000, s2;
	s6 =	simm.s32 $0x108;
	_ =	swait.ge @!p0 [sflag:s8], $0x0  }
0x24: {  	s3 =	sadd.s32 $0x88, s3;
	s6 =	simm.s32 @!p1 $0x1082;
	[sflag:s4] =	ssyncset.s32 $0xFFFFF086  }
0x25: {  	[simem:s6], [sflag:s4] =	dma.local [hbm:s3], $0xF7A  }
0x26: {  	[smem:$0x3F9B] =	sst s1;
	(tag) =	ssettag s2;
	_ =	strace s9  }
0x27: {  	s1 =	sld [smem:$0x3FAB]  }
0x28: {  	s2 =	sld [smem:$0x3FAC]  }
0x29: {  	s4 =	sld [smem:$0x3FAE]  }
0x2a: {  	p0 =	seq.s32 s5, $0x0;
	s5 =	sld [smem:$0x3FAF]  }
0x2b: {  	s6 =	sld [smem:$0x3FB0]  }
0x2c: {  	s7 =	sld [smem:$0x3FB1]  }
0x2d: {  	s3 =	simm.s32 $0x108;
	s8 =	sld [smem:$0x3FB2]  }
0x2e: {  	s3 =	simm.s32 @!p0 $0x1082;
	s9 =	sld [smem:$0x3FB3]  }
0x2f: {  	lr =	sadd.s32 s0, s3;
	s0 =	sld [smem:$0x3FAA]  }
0x30: {  	s3 =	sld [smem:$0x3FAD]  }
0x31: {  	[smem:$0x3FB6] =	sst s10  }
0x32: {  	s10 =	sld [smem:$0x3FB4];
	_ =	sdelay $0x3  }
0x33: {  	p0 =	seq.s32 s10, $0x1;
	s10 =	sld [smem:$0x3FB6];
	_ =	sdelay $0x3  }
0x34: {  	[smem:$0x3FB6] =	sst s10  }
0x35: {  	s10 =	sld [smem:$0x3FB5];
	_ =	sdelay $0x3  }
0x36: {  	p1 =	seq.s32 s10, $0x1;
	s10 =	sld [smem:$0x3FB6];
	_ =	sdelay $0x3  }
0x37: {  	[smem:$0x3FB6] =	sst s10  }
0x38: {  	s10 =	sld [smem:$0x3FB7]  }
0x39: {  	_ = 	snop;
	(pc) =	sbr.ind lr, $3  }
0x3a: {  	_ = 	snop  }
0x3b: {  	_ = 	snop  }
0x3c: {  	p2 =	seq.s32 s10, $0x1;
	s10 =	sld [smem:$0x3FB6]  }
0x3d: {  	_ =	shalt  }
0x3e: {  	_ =	shalt  }
0x3f: {  	_ =	shalt  }
0x40: {  	_ =	shalt  }
0x41: {  	_ =	shalt  }
0x42: {  	_ =	shalt  }
0x43: {  	_ =	shalt  }
0x44: {  	_ =	shalt  }
0x45: {  	_ =	shalt  }
0x46: {  	_ =	shalt  }
0x47: {  	_ =	shalt  }
0x48: {  	_ =	shalt  }
0x49: {  	_ =	shalt  }
0x4a: {  	_ =	shalt  }
0x4b: {  	_ =	shalt  }
0x4c: {  	_ =	shalt  }
0x4d: {  	_ =	shalt  }
0x4e: {  	_ =	shalt  }
0x4f: {  	_ =	shalt  }
0x50: {  	_ =	shalt  }
0x51: {  	_ =	shalt  }
0x52: {  	_ =	shalt  }
0x53: {  	_ =	shalt  }
0x54: {  	_ =	shalt  }
0x55: {  	_ =	shalt  }
0x56: {  	_ =	shalt  }
0x57: {  	_ =	shalt  }
0x58: {  	_ =	shalt  }
0x59: {  	_ =	shalt  }
0x5a: {  	_ =	shalt  }
0x5b: {  	_ =	shalt  }
0x5c: {  	_ =	shalt  }
0x5d: {  	_ =	shalt  }
0x5e: {  	_ =	shalt  }
0x5f: {  	_ =	shalt  }
0x60: {  	_ =	shalt  }
0x61: {  	_ =	shalt  }
0x62: {  	_ =	shalt  }
0x63: {  	_ =	shalt  }
0x64: {  	_ =	shalt  }
0x65: {  	_ =	shalt  }
0x66: {  	_ =	shalt  }
0x67: {  	_ =	shalt  }
0x68: {  	_ =	shalt  }
0x69: {  	_ =	shalt  }
0x6a: {  	_ =	shalt  }
0x6b: {  	_ =	shalt  }
0x6c: {  	_ =	shalt  }
0x6d: {  	_ =	shalt  }
0x6e: {  	_ =	shalt  }
0x6f: {  	_ =	shalt  }
0x70: {  	_ =	shalt  }
0x71: {  	_ =	shalt  }
0x72: {  	_ =	shalt  }
0x73: {  	_ =	shalt  }
0x74: {  	_ =	shalt  }
0x75: {  	_ =	shalt  }
0x76: {  	_ =	shalt  }
0x77: {  	_ =	shalt  }
0x78: {  	_ =	shalt  }
0x79: {  	_ =	shalt  }
0x7a: {  	_ =	shalt  }
0x7b: {  	_ =	shalt  }
0x7c: {  	_ =	shalt  }
0x7d: {  	_ =	shalt  }
0x7e: {  	_ =	shalt  }
0x7f: {  	_ =	shalt  }
0x80: {  	_ =	shalt  }
0x81: {  	_ =	shalt  }
0x82: {  	_ =	shalt  }
0x83: {  	_ =	shalt  }
0x84: {  	_ =	shalt  }
0x85: {  	_ =	shalt  }
0x86: {  	_ =	shalt  }
0x87: {  	_ =	shalt  }
.Lfunc_end0:
.L_simem_size_0:
called_computation_lowered:
.L_overlay_start_0:
0x88: {  	s0 =	sld [smem:$0x3FD9]  }
0x89: {  	s1 =	sld [smem:$0x3FFE];
	_ =	sdelay $0x3  }
0x8a: {  	s0 =	sadd.s32 s1, s0  }
0x8b: {  	[smem:$0x3FC2] =	sst s0  }
0x8c: {  	_ = 	snop  }
0x8d: {  	(tm) =	ssettm $0x1  }
0x8e: {  	s15 =	sld [smem:$0x3FFB];
	_ =	sdelay $0x3  }
0x8f: {  	_ =	strace s15  }
0x90: {  	s0 =	sld [smem:$0x3FFC];
	_ =	sdelay $0x3  }
0x91: {  	_ =	strace s0  }
0x92: {  	s0 =	sld [smem:$0x3FFD];
	_ =	sdelay $0x3  }
0x93: {  	_ =	strace s0  }
0x94: {  	_ =	strace $0x8FFFFFFF  }
0x95: {  	s16 =	sld [smem:$0x3FDB];
	_ =	sdelay $0x1  }
0x96: {  	s17 =	simm.s32 $_scs_section_size  }
0x97: {  	s2 =	simm.s32 $_size__tile_overlayer_lowered;
	s3 =	simm.s32 $_tile_overlayer_lowered  }
0x98: {  	s20 =	simm.s32 $0x1BFF;
	s19 =	sshll.u32 s3, $0x1;
	s0 =	sadd.s32 s17, s16  }
0x99: {  	s4 =	simm.s32 $0x0;
	s18 =	sshll.u32 s2, $0x1;
	s2 =	sadd.s32 s19, s0  }
0x9a: {  	[timem:s4], [sflag:s20] =	dma.local [hbm:s2], s18  }
0x9b: {  	_ =	swait.ge [sflag:s20], s18  }
0x9c: {  	s1 =	ssub.s32 $0x0, s18;
	[sflag:s20] =	ssyncset.done $0x0  }
0x9d: {  	[sflag:s20] =	ssyncadd.s32 s1;
	_ =	sdelay $0x1  }
0x9e: {  	s21 =	simm.s32 $0x1B8B  }
0x9f: {  	_ =	swait.ge [sflag:s21], $0x1  }
0xa0: {  	[sflag:s21] =	ssyncset.done $0x0  }
0xa1: {  	s23 =	simm.s32 $0x1B8E;
	s22 =	sld [smem:$0x3FFE];
	[sflag:s21] =	ssyncadd.s32 $0xFFFFFFFF  }
0xa2: {  	s24 =	simm.s32 $execute0_lowered;
	[smem:$0x3FD2] =	sst s23  }
0xa3: {  	s2 =	sshll.u32 s24, $0x1;
	_ =	strace $0x80000046;
	[dreg:$0x1] =	wrdreg $0xFFFFFFFF  }
0xa4: {  	s25 =	simm.s32 $_size_execute0_lowered;
	s0 =	sadd.s32 s0, s2;
	[dreg:$0x0] =	wrdreg $0x0  }
0xa5: {  	s2 =	sshll.u32 s25, $0x1;
	[dreg:$0x2] =	wrdreg s0  }
0xa6: {  	[dreg:$0x3] =	wrdreg s2  }
0xa7: {  	[dreg:$0x4] =	wrdreg $0xC0  }
0xa8: {  	_ =	task [dreg:s4], $0x5FFFF  }
0xa9: {  	[dreg:$0x1] =	wrdreg $0xFFFFFFFF  }
0xaa: {  	[dreg:$0x0] =	wrdreg $0x60  }
0xab: {  	[dreg:$0x2] =	wrdreg s22  }
0xac: {  	[dreg:$0x3] =	wrdreg $0x9  }
0xad: {  	_ =	task.clear_ibuf [dreg:s4], $0x4FFFF;
	_ =	strace $0x90000046  }
0xae: {  	s26 =	simm.s32 $0x9;
	_ =	strace $0x80000048  }
0xaf: {  	_ =	swait.ge [sflag:s26], $0x1  }
0xb0: {  	[sflag:s26] =	ssyncadd.s32 $0xFFFFFFFF  }
0xb1: {  	_ =	strace $0x90000048  }
0xb2: {  	_ =	sfence  }
0xb3: {  	s28 =	sld [smem:$0x0];
	_ =	sdelay $0x1  }
0xb4: {  	s29 =	srdreg.scid  }
0xb5: {  	s30 =	sshll.u32 s29, $0xD;
	s31 =	sshrl.u32 s29, $0x2  }
0xb6: {  	s1 =	sand.u32 $0x1, s29;
	s2 =	sand.u32 $0x4000, s30;
	s0 =	sadd.s32 s31, s28  }
0xb7: {  	s1 =	sor.u32 s2, s1;
	s0 =	sshll.u32 s0, $0x11  }
0xb8: {  	s0 =	sor.u32 s0, s1  }
0xb9: {  	s0 =	sadd.s32 $0x8F2B, s0  }
0xba: {  	[sflag:s0] =	ssyncadd.remote.s32 $0x1  }
0xbb: {  	_ =	sfence.sel $0xFFFF  }
0xbc: {  	[dreg:$0x0] =	wrdreg $0xFFFFFFFF;
	(pc) =	sbr.abs _section_cstart, $3  }
0xbd: {  	[dreg:$0x1] =	wrdreg $0xFFFFFFFF  }
0xbe: {  	_ =	task.clear_ibuf [dreg:s4], $0x2FFFF;
	_ =	strace $0x9FFFFFFF  }
0xbf: {  	(tm) =	ssettm $0x7FFFFFFF  }
tec
execute0_lowered:
.L_overlay_start_1:
0x0: {  	(tag) =	ssettag $0x1  }
0x1: {  	s2 =	rddreg [dreg:$0x0]  }
0x2: {  	s0 =	rddreg [dreg:$0x1]  }
0x3: {  	_ =	strace $0x80000047;
	s4 =	stileid.u32;
	s5 =	simm.s32 $0x3E  }
0x4: {  	s1 =	sadd.s32 $0x8400, s2;
	p0 =	sne.s32 s4, $0x0;
	[sflag:s5] =	ssyncpa.u1 $0x0  }
0x5: {  	s30 =	smin.u32 s4, $0x9;
	s3 =	simm.s32 @!p0 $0x1C3E;
	s6 =	simm.s32 @!p0 $0x0  }
0x6: {  	[spmem:s6], [sflag:s3] =	dma.local @!p0 [hbm:s1], $0x10  }
0x7: {  	s3 =	sadd.s32 s4, s30  }
0x8: {  	p1 =	slt.u32 s4, $0x9;
	s4 =	simm.s32 $0x1F40;
	s3 =	smul.u32 $0xFA0, s3  }
0x9: {  	s4 =	simm.s32 @!p1 $0xFA0  }
0xa: {  	s4 =	sadd.s32 s4, s3  }
0xb: {  	s4 =	smin.u32 s4, $0x186A0  }
0xc: {  	s7 =	ssub.s32 s4, s3  }
0xd: {  	p1 =	sgt.s32 s7, $0x0  }
0xe: {  	s7 =	simm.s32 @!p1 $0x0  }
0xf: {  	s6 =	simm.s32 @!p0 $0x3E;
	s31 =	smulhi.u32 $0x10624DD3, s7  }
0x10: {  	_ =	swait.ge @!p0 [sflag:s6], $0x10  }
0x11: {  	[sflag:s6] =	ssyncset.done @!p0 $0x0;
	s8 =	sshrl.u32 s31, $0x8  }
0x12: {  	s11 =	simm.s32 $0x0;
	[sflag:s6] =	ssyncadd.s32 @!p0 $0xFFFFFFF0;
	s9 =	smul.u32 $0xFA0, s8  }
.Ltmp0:
0x13: {  	s6 =	simm.s32 $0x2;
	[bflag:$0x0] =	sbarrier.arrive $0xFFFF;
	(pc) =	sbr.rel .LBB2_1-.Ltmp0, $4  }
0x14: {  	s10 =	smov.u32 s3;
	[sflag:s5] =	ssyncpa.u1 $0x1;
	s5 =	simm.s32 $0x1  }
0x15: {  	[sflag:s5] =	ssyncpa.u1 $0x0;
	p1 =	sne.s32 s7, s9;
	s9 =	simm.s32 $0x1  }
0x16: {  	(ifvalue) =	ssetifvalue $0x80;
	[sflag:s6] =	ssyncpa.u1 $0x0;
	s9 =	simm.s32 @!p1 $0x0  }
0x17: {  	vm0 =	vmmov $0xffff;
	s7 =	sadd.s32 $0x5200, s2;
	s8 =	sadd.s32 s9, s8;
	s9 =	simm.s32 $0x0  }
.LBB2_5:
0x18: {  	p2 =	sne.s32 s11, s8  }
.Ltmp1:
0x19: {  	_ = 	snop;
	(pc) =	sbr.rel @!p2 .LBB2_6-.Ltmp1, $4  }
0x1a: {  	_ = 	snop  }
0x1b: {  	s12 =	sadd.s32 $0xFA0, s10  }
0x1c: {  	s10 =	smov.u32 s3;
	s13 =	sadd.s32 $0x1, s11;
	p1 =	slt.s32 s12, s4  }
0x1d: {  	s11 =	smov.u32 s13;
	s10 =	smov.u32 @p1 s12  }
.LBB2_1:
0x1e: {  	p1 =	sge.u32 s11, s8  }
0x1f: {  	s12 =	sxor.u32 @!p1 $0xFFFFFFFF, s11  }
0x20: {  	s12 =	sand.u32 @!p1 $0x1, s12  }
0x21: {  	s12 =	smul.u32 @!p1 $0xFA0, s12  }
0x22: {  	s13 =	sshrl.u32 @!p1 s10, $0x3  }
0x23: {  	s16 =	sand.u32 @!p1 $0x7, s10;
	s14 =	sadd.s32 @!p1 s2, s13;
	s15 =	sor.u32 @!p1 $0x8, s12  }
0x24: {  	[tilespmem:s15], [sflag:$0x2] =	stream.linear.gather @!p1 [hbm4b:s14+s16], $0xFA0, $0x38;
	[tilespmem:$0x3E88] =	vst v63  }
0x25: {  	s13 =	sadd.s32 @!p1 s7, s13;
	s12 =	sadd.s32 @!p1 $0x1F48, s12  }
0x26: {  	[tilespmem:s12], [sflag:$0x2] =	stream.linear.gather @!p1 [hbm4b:s13+s16], $0xFA0, $0x38;
	[tilespmem:$0x3E88] =	vst v63  }
0x27: {  	p1 =	seq.s32 s11, $0x0  }
.Ltmp2:
0x28: {  	_ = 	snop;
	(pc) =	sbr.rel @p1 .LBB2_5-.Ltmp2, $1  }
0x29: {  	_ =	sdelay $0x3  }
0x2a: {  	s12 =	sand.u32 $0x1, s11  }
0x2b: {  	_ =	swait.ge [sflag:s6], $0x1F40;
	p1 =	seq.s32 s12, $0x1;
	s12 =	simm.s32 $0xFA0  }
0x2c: {  	[sflag:s6] =	ssyncset.done $0x0;
	s12 =	simm.s32 @!p1 $0x0  }
0x2d: {  	[sflag:s6] =	ssyncadd.s32 $0xFFFFE0C0;
	s14 =	sor.u32 $0x8, s12  }
0x2e: {  	v0 =	vld.msk [tilespmem:s14+$0x0 ss:$0x1], $0xffff;
	_ =	sdelay $0x4  }
0x2f: {  	v0 =	vmin.u32 v0, $0x80;
	_ =	sdelay $0x3  }
0x30: {  	s13 =	simm.s32 $0x0;
	s12 =	sadd.s32 $0x1F48, s12;
	s14 =	sadd.s32 $0x10, s14  }
0x31: {  	[spmem:s9] =	stream.indirect_vreg.scatter.add.s32 [tilespmem:s12], [sflag:$0x1], $0x1, v0, vm0, $0x4038;
	[tilespmem:$0x3E88] =	vst v63  }
.LBB2_3:
0x32: {  	v0 =	vld.msk [tilespmem:s14+$0x0 ss:$0x1], $0xffff;
	s13 =	sadd.s32 $0x10, s13  }
0x33: {  	p1 =	slt.u32 s13, $0xF90;
	_ =	sdelay $0x4  }
0x34: {  	v0 =	vmin.u32 v0, $0x80  }
.Ltmp3:
0x35: {  	(pc) =	sbr.rel @p1 .LBB2_3-.Ltmp3, $3  }
0x36: {  	_ =	sdelay $0x1  }
0x37: {  	s14 =	sadd.s32 $0x10, s14;
	s12 =	sadd.s32 $0x10, s12  }
0x38: {  	[spmem:s9] =	stream.indirect_vreg.scatter.add.s32 [tilespmem:s12], [sflag:$0x1], $0x1, v0, vm0, $0x4038;
	[tilespmem:$0x3E88] =	vst v63  }
.Ltmp4:
0x39: {  	(pc) =	sbr.rel .LBB2_5-.Ltmp4, $4  }
0x3a: {  	_ = 	snop  }
0x3b: {  	_ =	swait.ge [sflag:s5], $0xFA0  }
0x3c: {  	[sflag:s5] =	ssyncset.done $0x0  }
0x3d: {  	[sflag:s5] =	ssyncadd.s32 $0xFFFFF060  }
.LBB2_6:
0x3e: {  	_ =	sfence.sel $0x180000  }
0x3f: {  	s2 =	simm.s32 $0x2;
	[bflag:$0x0] =	sbarrier.arrive $0xFFFF  }
0x40: {  	s30 =	simm.s32 $0x1;
	[sflag:s2] =	ssyncpa.u1 $0x1  }
0x41: {  	[sflag:s30] =	ssyncpa.u1 $0x1  }
0x42: {  	_ =	sfence.stream.spmem  }
0x43: {  	s31 =	simm.s32 $0x3D;
	[bflag:$0x0] =	sbarrier.arrive $0xFFFF  }
0x44: {  	s2 =	simm.s32 @p0 $0x3D;
	[sflag:s31] =	ssyncpa.u1 $0x0  }
0x45: {  	[sflag:s2] =	ssyncpa.u1 @p0 $0x1  }
0x46: {  	[bflag:$0x0] =	sbarrier.arrive @p0 $0xFFFF  }
0x47: {  	_ =	strace @p0 $0x90000047  }
0x48: {  	s3 =	simm.s32 @!p0 $0x1C3D;
	s2 =	simm.s32 @!p0 $0x0;
	[bflag:$0x2] =	sbarrier.arrive @p0 $0xFFFF  }
0x49: {  	[hbm:s1], [sflag:s3] =	dma.local @!p0 [spmem:s2], $0x10  }
0x4a: {  	s1 =	simm.s32 @!p0 $0x3D  }
0x4b: {  	_ =	swait.ge @!p0 [sflag:s1], $0x10  }
0x4c: {  	[sflag:s1] =	ssyncset.done @!p0 $0x0  }
0x4d: {  	[sflag:s1] =	ssyncadd.s32 @!p0 $0xFFFFFFF0  }
0x4e: {  	[sflag:s1] =	ssyncpa.u1 @!p0 $0x1  }
0x4f: {  	[bflag:$0x0] =	sbarrier.arrive @!p0 $0xFFFF  }
0x50: {  	_ =	strace @!p0 $0x90000047  }
0x51: {  	s0 =	sadd.s32 @!p0 $0x100000, s0;
	[bflag:$0x2] =	sbarrier.arrive @!p0 $0xFFFF  }
0x52: {  	[sflag:s0] =	ssyncadd.tile.s32 @!p0 $0x1;
	_ =	shalt  }
.Lfunc_end2:
_tile_overlayer_lowered:
.L_overlay_start_2:
0x53: {  	(tag) =	ssettag $0x2  }
0x54: {  	s0 =	rddreg [dreg:$0x0];
	s2 =	stileid.u32  }
0x55: {  	s1 =	rddreg [dreg:$0x1];
	p0 =	sne.s32 s2, $0x0  }
0x56: {  	s3 =	rddreg [dreg:$0x2];
	[bflag:$0x3] =	sbarrier.arrive $0xFFFF;
	s2 =	simm.s32 @!p0 $0x1C01  }
0x57: {  	[timem:s3], [sflag:s2] =	dma.local @!p0 [hbm:s0], s1  }
0x58: {  	s0 =	simm.s32 @!p0 $0x1  }
0x59: {  	_ =	swait.ge @!p0 [sflag:s0], s1  }
0x5a: {  	s1 =	ssub.s32 @!p0 $0x0, s1;
	[sflag:s0] =	ssyncset.done @!p0 $0x0  }
0x5b: {  	[sflag:s0] =	ssyncadd.s32 @!p0 s1  }
0x5c: {  	[bflag:$0x3] =	sbarrier.arrive $0xFFFF  }
0x5d: {  	_ =	shalt  }

</sc_bundles>
